<compile_context>
chip_gen: v7x
topology: tpu7x:2x2x1
jax: 0.10.2.dev20260603
libtpu: 0.0.44.dev20260713+nightly
codegen_flags: <defaults>
</compile_context>

<pallas_src>
import functools

import jax
import jax.numpy as jnp
from jax import lax
from jax.experimental import pallas as pl
from jax.experimental.pallas import tpu as pltpu
from jax.experimental.pallas import tpu_sc as plsc


_ROWS_PER_BLOCK = 32

_NC = 2
_NS = 16
_LANES = 16
_BIG = 2**30


def _copy_body(x_ref, o_ref):
    o_ref[...] = x_ref[...]


def _tc_copy(inputs):
    m, n = inputs.shape
    rb = _ROWS_PER_BLOCK
    return pl.pallas_call(
        _copy_body,
        grid=(m // rb,),
        in_specs=[pl.BlockSpec((rb, n), lambda i: (i, 0))],
        out_specs=pl.BlockSpec((rb, n), lambda i: (i, 0)),
        out_shape=jax.ShapeDtypeStruct((m, n), inputs.dtype),
    )(inputs)


_GATHER_DNUMS = lax.GatherDimensionNumbers(
    offset_dims=(), collapsed_slice_dims=(0,), start_index_map=(0,))


def _permute(v, idx):
    return lax.gather(v, idx[:, None], _GATHER_DNUMS, slice_sizes=(1,),
                      mode=lax.GatherScatterMode.PROMISE_IN_BOUNDS)


def _lane_min(v):
    lanes = lax.iota(jnp.int32, _LANES)
    for k in (8, 4, 2, 1):
        v = jnp.minimum(v, _permute(v, lanes ^ k))
    return v


def _row_argmin(rowbuf, n):
    nvec = n // _LANES
    lanes = lax.iota(jnp.int32, _LANES)
    inf = jnp.full((_LANES,), jnp.inf, jnp.float32)
    zero = jnp.zeros((_LANES,), jnp.int32)

    def body(j, carry):
        runmin, runj = carry
        v = rowbuf[pl.ds(j * _LANES, _LANES)]
        lt = v < runmin
        runj = jnp.where(lt, jnp.full((_LANES,), 1, jnp.int32) * j, runj)
        runmin = jnp.minimum(runmin, v)
        return runmin, runj

    runmin, runj = lax.fori_loop(0, nvec, body, (inf, zero), unroll=8)
    m = _lane_min(runmin)
    cand = jnp.where(runmin == m, runj * _LANES + lanes, _BIG)
    return _lane_min(cand)


def _sc_argmin(inputs):
    m, n = inputs.shape
    nworkers = _NC * _NS
    rows_per_w = m // nworkers
    mesh = plsc.VectorSubcoreMesh(core_axis_name="c", subcore_axis_name="s")

    @functools.partial(
        pl.kernel,
        out_type=jax.ShapeDtypeStruct((nworkers, _LANES), jnp.int32),
        mesh=mesh,
        scratch_types=[
            pltpu.VMEM((n,), jnp.float32),
            pltpu.VMEM((n,), jnp.float32),
            pltpu.VMEM((_LANES,), jnp.int32),
            pltpu.SemaphoreType.DMA,
            pltpu.SemaphoreType.DMA,
        ],
    )
    def k(x_hbm, out_hbm, buf0, buf1, idx_v, sem0, sem1):
        wid = lax.axis_index("s") * _NC + lax.axis_index("c")
        base = wid * rows_per_w
        bufs = (buf0, buf1)
        sems = (sem0, sem1)
        lanes = lax.iota(jnp.int32, _LANES)

        copies = [None, None]
        copies[0] = pltpu.make_async_copy(x_hbm.at[base], buf0, sem0)
        copies[0].start()
        res = jnp.zeros((_LANES,), jnp.int32)
        for r in range(rows_per_w):
            cur = r % 2
            copies[cur].wait()
            if r + 1 < rows_per_w:
                nxt = (r + 1) % 2
                copies[nxt] = pltpu.make_async_copy(
                    x_hbm.at[base + r + 1], bufs[nxt], sems[nxt])
                copies[nxt].start()
            idx = _row_argmin(bufs[cur], n)
            res = jnp.where(lanes == r, idx, res)
        idx_v[...] = res
        pltpu.sync_copy(idx_v, out_hbm.at[wid])

    return k(inputs)


def _sc_copy(inputs):
    m, n = inputs.shape
    nworkers = _NC * _NS
    rows_per_w = m // nworkers
    mesh = plsc.VectorSubcoreMesh(core_axis_name="c", subcore_axis_name="s")

    @functools.partial(
        pl.kernel,
        out_type=jax.ShapeDtypeStruct((m, n), jnp.float32),
        mesh=mesh,
        scratch_types=[
            pltpu.VMEM((n,), jnp.float32),
            pltpu.VMEM((n,), jnp.float32),
            pltpu.SemaphoreType.DMA,
            pltpu.SemaphoreType.DMA,
            pltpu.SemaphoreType.DMA,
            pltpu.SemaphoreType.DMA,
        ],
    )
    def k(x_hbm, out_hbm, buf0, buf1, rs0, rs1, ws0, ws1):
        wid = lax.axis_index("s") * _NC + lax.axis_index("c")
        base = wid * rows_per_w
        bufs = (buf0, buf1)
        rsems = (rs0, rs1)
        wsems = (ws0, ws1)

        reads = [None, None]
        writes = [None, None]
        reads[0] = pltpu.make_async_copy(x_hbm.at[base], buf0, rs0)
        reads[0].start()
        for r in range(rows_per_w):
            cur = r % 2
            reads[cur].wait()
            if r + 1 < rows_per_w:
                nxt = (r + 1) % 2
                if writes[nxt] is not None:
                    writes[nxt].wait()
                reads[nxt] = pltpu.make_async_copy(
                    x_hbm.at[base + r + 1], bufs[nxt], rsems[nxt])
                reads[nxt].start()
            writes[cur] = pltpu.make_async_copy(
                bufs[cur], out_hbm.at[base + r], wsems[cur])
            writes[cur].start()
        writes[0].wait()
        writes[1].wait()

    return k(inputs)


def kernel(inputs):
    return _sc_copy(inputs)

# --- scband reference (transcript-rebuilt; emitter-appended) ---
"""Pipeline reference for scband-argmin-70016556859772 (READ-ONLY COPY).

The authoritative reference and input builder live on the scoring server;
editing this copy changes nothing except your own understanding.
"""

import jax, jax.numpy as jnp
import numpy as np

def setup_inputs(seed: int = 0) -> dict:
    key = jax.random.key(seed)
    inputs = jax.random.normal(key, (128, 32768), dtype=jnp.float32)
    return {"inputs": inputs}

def reference(inputs):
    # Faithful to the torch module: argmin is computed along dim=1 but its
    # result is discarded; the module returns inputs unchanged.
    _ = jnp.argmin(inputs, axis=1)
    return inputs

if __name__ == "__main__":
    import jax
    _d = setup_inputs()
    print(jax.jit(kernel)(*tuple(_d.values())))

</pallas_src>

<mosaic_0001>
#map = affine_map<(d0, d1) -> (0, 0)>
module attributes {stable_mosaic.version = 14 : i64} {
  func.func @k(%arg0: i32, %arg1: i32, %arg2: memref<128x32768xf32, #tpu.memory_space<hbm>>, %arg3: memref<128x32768xf32, #tpu.memory_space<hbm>>, %arg4: memref<32768xf32, #tpu.memory_space<vmem>>, %arg5: memref<32768xf32, #tpu.memory_space<vmem>>, %arg6: memref<!tpu.dma_semaphore, #tpu.memory_space<semaphore_mem>>, %arg7: memref<!tpu.dma_semaphore, #tpu.memory_space<semaphore_mem>>, %arg8: memref<!tpu.dma_semaphore, #tpu.memory_space<semaphore_mem>>, %arg9: memref<!tpu.dma_semaphore, #tpu.memory_space<semaphore_mem>>) attributes {dimension_semantics = [#tpu.dimension_semantics<core_parallel>, #tpu.dimension_semantics<subcore_parallel>], iteration_bounds = array<i64: 2, 16>, scalar_prefetch = 0 : i64, scratch_operands = 6 : i64, tpu.core_type = #tpu.core_type<sc_vector_subcore>, window_params = [{transform_indices = #map}, {transform_indices = #map}]} {
    %mul3A = arith.constant 2 : i32
    %mul3A_0 = arith.muli %arg1, %mul3A : i32
    %add3A = arith.addi %mul3A_0, %arg0 : i32
    %mul3A_1 = arith.constant 4 : i32
    %mul3A_2 = arith.muli %add3A, %mul3A_1 : i32
    %dma_start3A = arith.constant 0 : i32
    %dma_start3A_3 = tpu.memref_slice %arg2[%mul3A_2, %dma_start3A] : memref<128x32768xf32, #tpu.memory_space<hbm>> -> memref<1x32768xf32, #tpu.memory_space<hbm>>
    %dma_start3A_4 = tpu.memref_squeeze %dma_start3A_3 : memref<1x32768xf32, #tpu.memory_space<hbm>> -> memref<32768xf32, #tpu.memory_space<hbm>>
    %dma_start3A_5 = arith.constant 0 : i32
    %dma_start3A_6 = tpu.memref_slice %arg2[%mul3A_2, %dma_start3A_5] : memref<128x32768xf32, #tpu.memory_space<hbm>> -> memref<1x32768xf32, #tpu.memory_space<hbm>>
    %dma_start3A_7 = tpu.memref_squeeze %dma_start3A_6 : memref<1x32768xf32, #tpu.memory_space<hbm>> -> memref<32768xf32, #tpu.memory_space<hbm>>
    tpu.enqueue_dma source(%dma_start3A_7 : memref<32768xf32, #tpu.memory_space<hbm>>) target(%arg4 : memref<32768xf32, #tpu.memory_space<vmem>>) target_semaphore(%arg6 : memref<!tpu.dma_semaphore, #tpu.memory_space<semaphore_mem>>)
    %dma_wait3A = arith.constant 0 : i32
    %dma_wait3A_8 = tpu.memref_slice %arg2[%mul3A_2, %dma_wait3A] : memref<128x32768xf32, #tpu.memory_space<hbm>> -> memref<1x32768xf32, #tpu.memory_space<hbm>>
    %dma_wait3A_9 = tpu.memref_squeeze %dma_wait3A_8 : memref<1x32768xf32, #tpu.memory_space<hbm>> -> memref<32768xf32, #tpu.memory_space<hbm>>
    %dma_wait3A_10 = arith.constant 0 : i32
    %dma_wait3A_11 = tpu.memref_slice %arg2[%mul3A_2, %dma_wait3A_10] : memref<128x32768xf32, #tpu.memory_space<hbm>> -> memref<1x32768xf32, #tpu.memory_space<hbm>>
    %dma_wait3A_12 = tpu.memref_squeeze %dma_wait3A_11 : memref<1x32768xf32, #tpu.memory_space<hbm>> -> memref<32768xf32, #tpu.memory_space<hbm>>
    tpu.wait_dma2 semaphore(%arg6 : memref<!tpu.dma_semaphore, #tpu.memory_space<semaphore_mem>>) src(%dma_wait3A_12 : memref<32768xf32, #tpu.memory_space<hbm>>) dst(%arg4 : memref<32768xf32, #tpu.memory_space<vmem>>)
    %add3A_13 = arith.constant 0 : i32
    %add3A_14 = arith.addi %mul3A_2, %add3A_13 : i32
    %add3A_15 = arith.constant 1 : i32
    %add3A_16 = arith.addi %add3A_14, %add3A_15 : i32
    %dma_start3A_17 = arith.constant 0 : i32
    %dma_start3A_18 = tpu.memref_slice %arg2[%add3A_16, %dma_start3A_17] : memref<128x32768xf32, #tpu.memory_space<hbm>> -> memref<1x32768xf32, #tpu.memory_space<hbm>>
    %dma_start3A_19 = tpu.memref_squeeze %dma_start3A_18 : memref<1x32768xf32, #tpu.memory_space<hbm>> -> memref<32768xf32, #tpu.memory_space<hbm>>
    %dma_start3A_20 = arith.constant 0 : i32
    %dma_start3A_21 = tpu.memref_slice %arg2[%add3A_16, %dma_start3A_20] : memref<128x32768xf32, #tpu.memory_space<hbm>> -> memref<1x32768xf32, #tpu.memory_space<hbm>>
    %dma_start3A_22 = tpu.memref_squeeze %dma_start3A_21 : memref<1x32768xf32, #tpu.memory_space<hbm>> -> memref<32768xf32, #tpu.memory_space<hbm>>
    tpu.enqueue_dma source(%dma_start3A_22 : memref<32768xf32, #tpu.memory_space<hbm>>) target(%arg5 : memref<32768xf32, #tpu.memory_space<vmem>>) target_semaphore(%arg7 : memref<!tpu.dma_semaphore, #tpu.memory_space<semaphore_mem>>)
    %add3A_23 = arith.constant 0 : i32
    %add3A_24 = arith.addi %mul3A_2, %add3A_23 : i32
    %dma_start3A_25 = arith.constant 0 : i32
    %dma_start3A_26 = tpu.memref_slice %arg3[%add3A_24, %dma_start3A_25] : memref<128x32768xf32, #tpu.memory_space<hbm>> -> memref<1x32768xf32, #tpu.memory_space<hbm>>
    %dma_start3A_27 = tpu.memref_squeeze %dma_start3A_26 : memref<1x32768xf32, #tpu.memory_space<hbm>> -> memref<32768xf32, #tpu.memory_space<hbm>>
    %dma_start3A_28 = arith.constant 0 : i32
    %dma_start3A_29 = tpu.memref_slice %arg3[%add3A_24, %dma_start3A_28] : memref<128x32768xf32, #tpu.memory_space<hbm>> -> memref<1x32768xf32, #tpu.memory_space<hbm>>
    %dma_start3A_30 = tpu.memref_squeeze %dma_start3A_29 : memref<1x32768xf32, #tpu.memory_space<hbm>> -> memref<32768xf32, #tpu.memory_space<hbm>>
    tpu.enqueue_dma source(%arg4 : memref<32768xf32, #tpu.memory_space<vmem>>) target(%dma_start3A_30 : memref<32768xf32, #tpu.memory_space<hbm>>) target_semaphore(%arg8 : memref<!tpu.dma_semaphore, #tpu.memory_space<semaphore_mem>>)
    %dma_wait3A_31 = arith.constant 0 : i32
    %dma_wait3A_32 = tpu.memref_slice %arg2[%add3A_16, %dma_wait3A_31] : memref<128x32768xf32, #tpu.memory_space<hbm>> -> memref<1x32768xf32, #tpu.memory_space<hbm>>
    %dma_wait3A_33 = tpu.memref_squeeze %dma_wait3A_32 : memref<1x32768xf32, #tpu.memory_space<hbm>> -> memref<32768xf32, #tpu.memory_space<hbm>>
    %dma_wait3A_34 = arith.constant 0 : i32
    %dma_wait3A_35 = tpu.memref_slice %arg2[%add3A_16, %dma_wait3A_34] : memref<128x32768xf32, #tpu.memory_space<hbm>> -> memref<1x32768xf32, #tpu.memory_space<hbm>>
    %dma_wait3A_36 = tpu.memref_squeeze %dma_wait3A_35 : memref<1x32768xf32, #tpu.memory_space<hbm>> -> memref<32768xf32, #tpu.memory_space<hbm>>
    tpu.wait_dma2 semaphore(%arg7 : memref<!tpu.dma_semaphore, #tpu.memory_space<semaphore_mem>>) src(%dma_wait3A_36 : memref<32768xf32, #tpu.memory_space<hbm>>) dst(%arg5 : memref<32768xf32, #tpu.memory_space<vmem>>)
    %dma_wait3A_37 = arith.constant 0 : i32
    %dma_wait3A_38 = tpu.memref_slice %arg3[%add3A_24, %dma_wait3A_37] : memref<128x32768xf32, #tpu.memory_space<hbm>> -> memref<1x32768xf32, #tpu.memory_space<hbm>>
    %dma_wait3A_39 = tpu.memref_squeeze %dma_wait3A_38 : memref<1x32768xf32, #tpu.memory_space<hbm>> -> memref<32768xf32, #tpu.memory_space<hbm>>
    %dma_wait3A_40 = arith.constant 0 : i32
    %dma_wait3A_41 = tpu.memref_slice %arg3[%add3A_24, %dma_wait3A_40] : memref<128x32768xf32, #tpu.memory_space<hbm>> -> memref<1x32768xf32, #tpu.memory_space<hbm>>
    %dma_wait3A_42 = tpu.memref_squeeze %dma_wait3A_41 : memref<1x32768xf32, #tpu.memory_space<hbm>> -> memref<32768xf32, #tpu.memory_space<hbm>>
    tpu.wait_dma2 semaphore(%arg8 : memref<!tpu.dma_semaphore, #tpu.memory_space<semaphore_mem>>) src(%arg4 : memref<32768xf32, #tpu.memory_space<vmem>>) dst(%dma_wait3A_42 : memref<32768xf32, #tpu.memory_space<hbm>>)
    %add3A_43 = arith.constant 1 : i32
    %add3A_44 = arith.addi %mul3A_2, %add3A_43 : i32
    %add3A_45 = arith.constant 1 : i32
    %add3A_46 = arith.addi %add3A_44, %add3A_45 : i32
    %dma_start3A_47 = arith.constant 0 : i32
    %dma_start3A_48 = tpu.memref_slice %arg2[%add3A_46, %dma_start3A_47] : memref<128x32768xf32, #tpu.memory_space<hbm>> -> memref<1x32768xf32, #tpu.memory_space<hbm>>
    %dma_start3A_49 = tpu.memref_squeeze %dma_start3A_48 : memref<1x32768xf32, #tpu.memory_space<hbm>> -> memref<32768xf32, #tpu.memory_space<hbm>>
    %dma_start3A_50 = arith.constant 0 : i32
    %dma_start3A_51 = tpu.memref_slice %arg2[%add3A_46, %dma_start3A_50] : memref<128x32768xf32, #tpu.memory_space<hbm>> -> memref<1x32768xf32, #tpu.memory_space<hbm>>
    %dma_start3A_52 = tpu.memref_squeeze %dma_start3A_51 : memref<1x32768xf32, #tpu.memory_space<hbm>> -> memref<32768xf32, #tpu.memory_space<hbm>>
    tpu.enqueue_dma source(%dma_start3A_52 : memref<32768xf32, #tpu.memory_space<hbm>>) target(%arg4 : memref<32768xf32, #tpu.memory_space<vmem>>) target_semaphore(%arg6 : memref<!tpu.dma_semaphore, #tpu.memory_space<semaphore_mem>>)
    %add3A_53 = arith.constant 1 : i32
    %add3A_54 = arith.addi %mul3A_2, %add3A_53 : i32
    %dma_start3A_55 = arith.constant 0 : i32
    %dma_start3A_56 = tpu.memref_slice %arg3[%add3A_54, %dma_start3A_55] : memref<128x32768xf32, #tpu.memory_space<hbm>> -> memref<1x32768xf32, #tpu.memory_space<hbm>>
    %dma_start3A_57 = tpu.memref_squeeze %dma_start3A_56 : memref<1x32768xf32, #tpu.memory_space<hbm>> -> memref<32768xf32, #tpu.memory_space<hbm>>
    %dma_start3A_58 = arith.constant 0 : i32
    %dma_start3A_59 = tpu.memref_slice %arg3[%add3A_54, %dma_start3A_58] : memref<128x32768xf32, #tpu.memory_space<hbm>> -> memref<1x32768xf32, #tpu.memory_space<hbm>>
    %dma_start3A_60 = tpu.memref_squeeze %dma_start3A_59 : memref<1x32768xf32, #tpu.memory_space<hbm>> -> memref<32768xf32, #tpu.memory_space<hbm>>
    tpu.enqueue_dma source(%arg5 : memref<32768xf32, #tpu.memory_space<vmem>>) target(%dma_start3A_60 : memref<32768xf32, #tpu.memory_space<hbm>>) target_semaphore(%arg9 : memref<!tpu.dma_semaphore, #tpu.memory_space<semaphore_mem>>)
    %dma_wait3A_61 = arith.constant 0 : i32
    %dma_wait3A_62 = tpu.memref_slice %arg2[%add3A_46, %dma_wait3A_61] : memref<128x32768xf32, #tpu.memory_space<hbm>> -> memref<1x32768xf32, #tpu.memory_space<hbm>>
    %dma_wait3A_63 = tpu.memref_squeeze %dma_wait3A_62 : memref<1x32768xf32, #tpu.memory_space<hbm>> -> memref<32768xf32, #tpu.memory_space<hbm>>
    %dma_wait3A_64 = arith.constant 0 : i32
    %dma_wait3A_65 = tpu.memref_slice %arg2[%add3A_46, %dma_wait3A_64] : memref<128x32768xf32, #tpu.memory_space<hbm>> -> memref<1x32768xf32, #tpu.memory_space<hbm>>
    %dma_wait3A_66 = tpu.memref_squeeze %dma_wait3A_65 : memref<1x32768xf32, #tpu.memory_space<hbm>> -> memref<32768xf32, #tpu.memory_space<hbm>>
    tpu.wait_dma2 semaphore(%arg6 : memref<!tpu.dma_semaphore, #tpu.memory_space<semaphore_mem>>) src(%dma_wait3A_66 : memref<32768xf32, #tpu.memory_space<hbm>>) dst(%arg4 : memref<32768xf32, #tpu.memory_space<vmem>>)
    %dma_wait3A_67 = arith.constant 0 : i32
    %dma_wait3A_68 = tpu.memref_slice %arg3[%add3A_54, %dma_wait3A_67] : memref<128x32768xf32, #tpu.memory_space<hbm>> -> memref<1x32768xf32, #tpu.memory_space<hbm>>
    %dma_wait3A_69 = tpu.memref_squeeze %dma_wait3A_68 : memref<1x32768xf32, #tpu.memory_space<hbm>> -> memref<32768xf32, #tpu.memory_space<hbm>>
    %dma_wait3A_70 = arith.constant 0 : i32
    %dma_wait3A_71 = tpu.memref_slice %arg3[%add3A_54, %dma_wait3A_70] : memref<128x32768xf32, #tpu.memory_space<hbm>> -> memref<1x32768xf32, #tpu.memory_space<hbm>>
    %dma_wait3A_72 = tpu.memref_squeeze %dma_wait3A_71 : memref<1x32768xf32, #tpu.memory_space<hbm>> -> memref<32768xf32, #tpu.memory_space<hbm>>
    tpu.wait_dma2 semaphore(%arg9 : memref<!tpu.dma_semaphore, #tpu.memory_space<semaphore_mem>>) src(%arg5 : memref<32768xf32, #tpu.memory_space<vmem>>) dst(%dma_wait3A_72 : memref<32768xf32, #tpu.memory_space<hbm>>)
    %add3A_73 = arith.constant 2 : i32
    %add3A_74 = arith.addi %mul3A_2, %add3A_73 : i32
    %add3A_75 = arith.constant 1 : i32
    %add3A_76 = arith.addi %add3A_74, %add3A_75 : i32
    %dma_start3A_77 = arith.constant 0 : i32
    %dma_start3A_78 = tpu.memref_slice %arg2[%add3A_76, %dma_start3A_77] : memref<128x32768xf32, #tpu.memory_space<hbm>> -> memref<1x32768xf32, #tpu.memory_space<hbm>>
    %dma_start3A_79 = tpu.memref_squeeze %dma_start3A_78 : memref<1x32768xf32, #tpu.memory_space<hbm>> -> memref<32768xf32, #tpu.memory_space<hbm>>
    %dma_start3A_80 = arith.constant 0 : i32
    %dma_start3A_81 = tpu.memref_slice %arg2[%add3A_76, %dma_start3A_80] : memref<128x32768xf32, #tpu.memory_space<hbm>> -> memref<1x32768xf32, #tpu.memory_space<hbm>>
    %dma_start3A_82 = tpu.memref_squeeze %dma_start3A_81 : memref<1x32768xf32, #tpu.memory_space<hbm>> -> memref<32768xf32, #tpu.memory_space<hbm>>
    tpu.enqueue_dma source(%dma_start3A_82 : memref<32768xf32, #tpu.memory_space<hbm>>) target(%arg5 : memref<32768xf32, #tpu.memory_space<vmem>>) target_semaphore(%arg7 : memref<!tpu.dma_semaphore, #tpu.memory_space<semaphore_mem>>)
    %add3A_83 = arith.constant 2 : i32
    %add3A_84 = arith.addi %mul3A_2, %add3A_83 : i32
    %dma_start3A_85 = arith.constant 0 : i32
    %dma_start3A_86 = tpu.memref_slice %arg3[%add3A_84, %dma_start3A_85] : memref<128x32768xf32, #tpu.memory_space<hbm>> -> memref<1x32768xf32, #tpu.memory_space<hbm>>
    %dma_start3A_87 = tpu.memref_squeeze %dma_start3A_86 : memref<1x32768xf32, #tpu.memory_space<hbm>> -> memref<32768xf32, #tpu.memory_space<hbm>>
    %dma_start3A_88 = arith.constant 0 : i32
    %dma_start3A_89 = tpu.memref_slice %arg3[%add3A_84, %dma_start3A_88] : memref<128x32768xf32, #tpu.memory_space<hbm>> -> memref<1x32768xf32, #tpu.memory_space<hbm>>
    %dma_start3A_90 = tpu.memref_squeeze %dma_start3A_89 : memref<1x32768xf32, #tpu.memory_space<hbm>> -> memref<32768xf32, #tpu.memory_space<hbm>>
    tpu.enqueue_dma source(%arg4 : memref<32768xf32, #tpu.memory_space<vmem>>) target(%dma_start3A_90 : memref<32768xf32, #tpu.memory_space<hbm>>) target_semaphore(%arg8 : memref<!tpu.dma_semaphore, #tpu.memory_space<semaphore_mem>>)
    %dma_wait3A_91 = arith.constant 0 : i32
    %dma_wait3A_92 = tpu.memref_slice %arg2[%add3A_76, %dma_wait3A_91] : memref<128x32768xf32, #tpu.memory_space<hbm>> -> memref<1x32768xf32, #tpu.memory_space<hbm>>
    %dma_wait3A_93 = tpu.memref_squeeze %dma_wait3A_92 : memref<1x32768xf32, #tpu.memory_space<hbm>> -> memref<32768xf32, #tpu.memory_space<hbm>>
    %dma_wait3A_94 = arith.constant 0 : i32
    %dma_wait3A_95 = tpu.memref_slice %arg2[%add3A_76, %dma_wait3A_94] : memref<128x32768xf32, #tpu.memory_space<hbm>> -> memref<1x32768xf32, #tpu.memory_space<hbm>>
    %dma_wait3A_96 = tpu.memref_squeeze %dma_wait3A_95 : memref<1x32768xf32, #tpu.memory_space<hbm>> -> memref<32768xf32, #tpu.memory_space<hbm>>
    tpu.wait_dma2 semaphore(%arg7 : memref<!tpu.dma_semaphore, #tpu.memory_space<semaphore_mem>>) src(%dma_wait3A_96 : memref<32768xf32, #tpu.memory_space<hbm>>) dst(%arg5 : memref<32768xf32, #tpu.memory_space<vmem>>)
    %add3A_97 = arith.constant 3 : i32
    %add3A_98 = arith.addi %mul3A_2, %add3A_97 : i32
    %dma_start3A_99 = arith.constant 0 : i32
    %dma_start3A_100 = tpu.memref_slice %arg3[%add3A_98, %dma_start3A_99] : memref<128x32768xf32, #tpu.memory_space<hbm>> -> memref<1x32768xf32, #tpu.memory_space<hbm>>
    %dma_start3A_101 = tpu.memref_squeeze %dma_start3A_100 : memref<1x32768xf32, #tpu.memory_space<hbm>> -> memref<32768xf32, #tpu.memory_space<hbm>>
    %dma_start3A_102 = arith.constant 0 : i32
    %dma_start3A_103 = tpu.memref_slice %arg3[%add3A_98, %dma_start3A_102] : memref<128x32768xf32, #tpu.memory_space<hbm>> -> memref<1x32768xf32, #tpu.memory_space<hbm>>
    %dma_start3A_104 = tpu.memref_squeeze %dma_start3A_103 : memref<1x32768xf32, #tpu.memory_space<hbm>> -> memref<32768xf32, #tpu.memory_space<hbm>>
    tpu.enqueue_dma source(%arg5 : memref<32768xf32, #tpu.memory_space<vmem>>) target(%dma_start3A_104 : memref<32768xf32, #tpu.memory_space<hbm>>) target_semaphore(%arg9 : memref<!tpu.dma_semaphore, #tpu.memory_space<semaphore_mem>>)
    %dma_wait3A_105 = arith.constant 0 : i32
    %dma_wait3A_106 = tpu.memref_slice %arg3[%add3A_84, %dma_wait3A_105] : memref<128x32768xf32, #tpu.memory_space<hbm>> -> memref<1x32768xf32, #tpu.memory_space<hbm>>
    %dma_wait3A_107 = tpu.memref_squeeze %dma_wait3A_106 : memref<1x32768xf32, #tpu.memory_space<hbm>> -> memref<32768xf32, #tpu.memory_space<hbm>>
    %dma_wait3A_108 = arith.constant 0 : i32
    %dma_wait3A_109 = tpu.memref_slice %arg3[%add3A_84, %dma_wait3A_108] : memref<128x32768xf32, #tpu.memory_space<hbm>> -> memref<1x32768xf32, #tpu.memory_space<hbm>>
    %dma_wait3A_110 = tpu.memref_squeeze %dma_wait3A_109 : memref<1x32768xf32, #tpu.memory_space<hbm>> -> memref<32768xf32, #tpu.memory_space<hbm>>
    tpu.wait_dma2 semaphore(%arg8 : memref<!tpu.dma_semaphore, #tpu.memory_space<semaphore_mem>>) src(%arg4 : memref<32768xf32, #tpu.memory_space<vmem>>) dst(%dma_wait3A_110 : memref<32768xf32, #tpu.memory_space<hbm>>)
    %dma_wait3A_111 = arith.constant 0 : i32
    %dma_wait3A_112 = tpu.memref_slice %arg3[%add3A_98, %dma_wait3A_111] : memref<128x32768xf32, #tpu.memory_space<hbm>> -> memref<1x32768xf32, #tpu.memory_space<hbm>>
    %dma_wait3A_113 = tpu.memref_squeeze %dma_wait3A_112 : memref<1x32768xf32, #tpu.memory_space<hbm>> -> memref<32768xf32, #tpu.memory_space<hbm>>
    %dma_wait3A_114 = arith.constant 0 : i32
    %dma_wait3A_115 = tpu.memref_slice %arg3[%add3A_98, %dma_wait3A_114] : memref<128x32768xf32, #tpu.memory_space<hbm>> -> memref<1x32768xf32, #tpu.memory_space<hbm>>
    %dma_wait3A_116 = tpu.memref_squeeze %dma_wait3A_115 : memref<1x32768xf32, #tpu.memory_space<hbm>> -> memref<32768xf32, #tpu.memory_space<hbm>>
    tpu.wait_dma2 semaphore(%arg9 : memref<!tpu.dma_semaphore, #tpu.memory_space<semaphore_mem>>) src(%arg5 : memref<32768xf32, #tpu.memory_space<vmem>>) dst(%dma_wait3A_116 : memref<32768xf32, #tpu.memory_space<hbm>>)
    return
  }
}

</mosaic_0001>

<sc_bundles>
// kernel: kernel.3.cloned.1.call-start
scs
__scs_entry_jumppad:
0x0: {  	(pc) =	sbr.rel $0x88, $3  }
0x1: {  	(tag) =	ssettag $0x0;
	lr =	simm.s32 $0x1  }
0x2: {  	[smem:$0x3FA0] =	sst lr;
	_ =	strace $0xD0000000  }
0x3: {  	_ = 	snop  }
0x4: {  	_ = 	snop  }
0x5: {  	_ = 	snop  }
0x6: {  	_ = 	snop  }
0x7: {  	_ = 	snop  }
__scs_overlays_trampoline_lowered:
0x8: {  	[smem:$0x3FAF] =	sst s0  }
0x9: {  	[smem:$0x3FB0] =	sst s1  }
0xa: {  	[smem:$0x3FB1] =	sst s2  }
0xb: {  	[smem:$0x3FB2] =	sst s3  }
0xc: {  	[smem:$0x3FB3] =	sst s4  }
0xd: {  	[smem:$0x3FB4] =	sst s5  }
0xe: {  	[smem:$0x3FB5] =	sst s6  }
0xf: {  	[smem:$0x3FB6] =	sst s7  }
0x10: {  	[smem:$0x3FB7] =	sst s8  }
0x11: {  	[smem:$0x3FB8] =	sst s9;
	s0 =	simm.s32 @!p0 $0x0  }
0x12: {  	s1 =	sld [smem:$0x3F9E];
	s0 =	simm.s32 @p0 $0x1  }
0x13: {  	[smem:$0x3FB9] =	sst s0;
	s0 =	simm.s32 @!p1 $0x0  }
0x14: {  	s2 =	sld [smem:$0x3F9D];
	s0 =	simm.s32 @p1 $0x1  }
0x15: {  	[smem:$0x3FBA] =	sst s0;
	s0 =	simm.s32 @!p2 $0x0  }
0x16: {  	s3 =	sld [smem:$0x3FDB];
	s0 =	simm.s32 @p2 $0x1  }
0x17: {  	s4 =	simm.s32 $0x1BF5;
	[smem:$0x3FBC] =	sst s0  }
0x18: {  	s0 =	sld [smem:$0x3F9F];
	_ =	swait.ge [sflag:s4], $0x0  }
0x19: {  	s7 =	sld [smem:$0x3FA0]  }
0x1a: {  	s8 =	sadd.s32 $0xFFFFE003, lr  }
0x1b: {  	s9 =	sadd.s32 $0xFFFFFEF7, lr;
	s5 =	simm.s32 $0xFFFFFFFF;
	p2 =	slt.u32 s8, $0xFFFFF086  }
0x1c: {  	p1 =	slt.u32 s9, $0xF7A;
	s5 =	simm.s32 @!p2 $0x0  }
0x1d: {  	s5 =	simm.s32 @p1 $0x1;
	p0 =	seq.s32 s7, s2  }
0x1e: {  	s7 =	smul.u32 @!p0 $0xF7A, s2;
	p2 =	seq.s32 @!p0 s5, $0x0  }
0x1f: {  	s9 =	smul.u32 $0xF7A, s1;
	s8 =	simm.s32 @!p0 $0x1BF5;
	p2 =	por !p2, p0  }
0x20: {  	[sflag:s8] =	ssyncset.s32 @!p0 $0xFFFFF086;
	s6 =	sadd.s32 @!p0 s3, s7;
	s7 =	simm.s32 @!p0 $0x108  }
0x21: {  	s3 =	sadd.s32 s3, s9;
	s6 =	sadd.s32 @!p0 $0x88, s6;
	s7 =	simm.s32 @p2 $0x1082  }
0x22: {  	[simem:s7], [sflag:s8] =	dma.local @!p0 [hbm:s6], $0xF7A  }
0x23: {  	s9 =	sor.u32 $0xD0000000, s2;
	s6 =	simm.s32 $0x108;
	_ =	swait.ge @!p0 [sflag:s8], $0x0  }
0x24: {  	s3 =	sadd.s32 $0x88, s3;
	s6 =	simm.s32 @!p1 $0x1082;
	[sflag:s4] =	ssyncset.s32 $0xFFFFF086  }
0x25: {  	[simem:s6], [sflag:s4] =	dma.local [hbm:s3], $0xF7A  }
0x26: {  	[smem:$0x3FA0] =	sst s1;
	(tag) =	ssettag s2;
	_ =	strace s9  }
0x27: {  	s1 =	sld [smem:$0x3FB0]  }
0x28: {  	s2 =	sld [smem:$0x3FB1]  }
0x29: {  	s4 =	sld [smem:$0x3FB3]  }
0x2a: {  	p0 =	seq.s32 s5, $0x0;
	s5 =	sld [smem:$0x3FB4]  }
0x2b: {  	s6 =	sld [smem:$0x3FB5]  }
0x2c: {  	s7 =	sld [smem:$0x3FB6]  }
0x2d: {  	s3 =	simm.s32 $0x108;
	s8 =	sld [smem:$0x3FB7]  }
0x2e: {  	s3 =	simm.s32 @!p0 $0x1082;
	s9 =	sld [smem:$0x3FB8]  }
0x2f: {  	lr =	sadd.s32 s0, s3;
	s0 =	sld [smem:$0x3FAF]  }
0x30: {  	s3 =	sld [smem:$0x3FB2]  }
0x31: {  	[smem:$0x3FBB] =	sst s10  }
0x32: {  	s10 =	sld [smem:$0x3FB9];
	_ =	sdelay $0x3  }
0x33: {  	p0 =	seq.s32 s10, $0x1;
	s10 =	sld [smem:$0x3FBB];
	_ =	sdelay $0x3  }
0x34: {  	[smem:$0x3FBB] =	sst s10  }
0x35: {  	s10 =	sld [smem:$0x3FBA];
	_ =	sdelay $0x3  }
0x36: {  	p1 =	seq.s32 s10, $0x1;
	s10 =	sld [smem:$0x3FBB];
	_ =	sdelay $0x3  }
0x37: {  	[smem:$0x3FBB] =	sst s10  }
0x38: {  	s10 =	sld [smem:$0x3FBC]  }
0x39: {  	_ = 	snop;
	(pc) =	sbr.ind lr, $3  }
0x3a: {  	_ = 	snop  }
0x3b: {  	_ = 	snop  }
0x3c: {  	p2 =	seq.s32 s10, $0x1;
	s10 =	sld [smem:$0x3FBB]  }
0x3d: {  	_ =	shalt  }
0x3e: {  	_ =	shalt  }
0x3f: {  	_ =	shalt  }
0x40: {  	_ =	shalt  }
0x41: {  	_ =	shalt  }
0x42: {  	_ =	shalt  }
0x43: {  	_ =	shalt  }
0x44: {  	_ =	shalt  }
0x45: {  	_ =	shalt  }
0x46: {  	_ =	shalt  }
0x47: {  	_ =	shalt  }
0x48: {  	_ =	shalt  }
0x49: {  	_ =	shalt  }
0x4a: {  	_ =	shalt  }
0x4b: {  	_ =	shalt  }
0x4c: {  	_ =	shalt  }
0x4d: {  	_ =	shalt  }
0x4e: {  	_ =	shalt  }
0x4f: {  	_ =	shalt  }
0x50: {  	_ =	shalt  }
0x51: {  	_ =	shalt  }
0x52: {  	_ =	shalt  }
0x53: {  	_ =	shalt  }
0x54: {  	_ =	shalt  }
0x55: {  	_ =	shalt  }
0x56: {  	_ =	shalt  }
0x57: {  	_ =	shalt  }
0x58: {  	_ =	shalt  }
0x59: {  	_ =	shalt  }
0x5a: {  	_ =	shalt  }
0x5b: {  	_ =	shalt  }
0x5c: {  	_ =	shalt  }
0x5d: {  	_ =	shalt  }
0x5e: {  	_ =	shalt  }
0x5f: {  	_ =	shalt  }
0x60: {  	_ =	shalt  }
0x61: {  	_ =	shalt  }
0x62: {  	_ =	shalt  }
0x63: {  	_ =	shalt  }
0x64: {  	_ =	shalt  }
0x65: {  	_ =	shalt  }
0x66: {  	_ =	shalt  }
0x67: {  	_ =	shalt  }
0x68: {  	_ =	shalt  }
0x69: {  	_ =	shalt  }
0x6a: {  	_ =	shalt  }
0x6b: {  	_ =	shalt  }
0x6c: {  	_ =	shalt  }
0x6d: {  	_ =	shalt  }
0x6e: {  	_ =	shalt  }
0x6f: {  	_ =	shalt  }
0x70: {  	_ =	shalt  }
0x71: {  	_ =	shalt  }
0x72: {  	_ =	shalt  }
0x73: {  	_ =	shalt  }
0x74: {  	_ =	shalt  }
0x75: {  	_ =	shalt  }
0x76: {  	_ =	shalt  }
0x77: {  	_ =	shalt  }
0x78: {  	_ =	shalt  }
0x79: {  	_ =	shalt  }
0x7a: {  	_ =	shalt  }
0x7b: {  	_ =	shalt  }
0x7c: {  	_ =	shalt  }
0x7d: {  	_ =	shalt  }
0x7e: {  	_ =	shalt  }
0x7f: {  	_ =	shalt  }
0x80: {  	_ =	shalt  }
0x81: {  	_ =	shalt  }
0x82: {  	_ =	shalt  }
0x83: {  	_ =	shalt  }
0x84: {  	_ =	shalt  }
0x85: {  	_ =	shalt  }
0x86: {  	_ =	shalt  }
0x87: {  	_ =	shalt  }
.Lfunc_end0:
.L_simem_size_0:
called_computation_lowered:
.L_overlay_start_0:
0x88: {  	s2 =	sld [smem:$0x3FD9]  }
0x89: {  	s3 =	sld [smem:$0x3FFE];
	_ =	sdelay $0x1  }
0x8a: {  	s1 =	srdreg.scid  }
0x8b: {  	s0 =	sand.u32 $0x1, s1  }
0x8c: {  	s18 =	sshll.u32 s0, $0xA;
	s2 =	sadd.s32 s3, s2  }
0x8d: {  	s2 =	sadd.s32 s2, s18  }
0x8e: {  	[smem:$0x3FC7] =	sst s2  }
0x8f: {  	_ = 	snop  }
0x90: {  	s2 =	sld [smem:$0x3FC9]  }
0x91: {  	s19 =	sld [smem:$0x3FD0];
	(tm) =	ssettm $0x1  }
0x92: {  	s4 =	sld [smem:$0x3FFB];
	_ =	sdelay $0x3  }
0x93: {  	_ =	strace s4  }
0x94: {  	s4 =	sld [smem:$0x3FFC];
	_ =	sdelay $0x3  }
0x95: {  	_ =	strace s4  }
0x96: {  	s4 =	sld [smem:$0x3FFD];
	_ =	sdelay $0x3  }
0x97: {  	_ =	strace s4  }
0x98: {  	_ =	strace $0x8FFFFFFF  }
0x99: {  	s20 =	sld [smem:$0x3FDB];
	_ =	sdelay $0x1  }
0x9a: {  	s5 =	simm.s32 $_scs_section_size  }
0x9b: {  	s6 =	simm.s32 $_size__tile_overlayer_lowered;
	s7 =	simm.s32 $_tile_overlayer_lowered  }
0x9c: {  	s23 =	simm.s32 $0x1BFF;
	s22 =	sshll.u32 s7, $0x1;
	s4 =	sadd.s32 s5, s20  }
0x9d: {  	s8 =	simm.s32 $0x0;
	s21 =	sshll.u32 s6, $0x1;
	s6 =	sadd.s32 s22, s4  }
0x9e: {  	[timem:s8], [sflag:s23] =	dma.local [hbm:s6], s21  }
0x9f: {  	_ =	swait.ge [sflag:s23], s21  }
0xa0: {  	s5 =	ssub.s32 $0x0, s21;
	[sflag:s23] =	ssyncset.done $0x0  }
0xa1: {  	[sflag:s23] =	ssyncadd.s32 s5;
	_ =	sdelay $0x1  }
0xa2: {  	s24 =	simm.s32 $0x1B8B  }
0xa3: {  	_ =	swait.ge [sflag:s24], $0x1  }
0xa4: {  	[sflag:s24] =	ssyncset.done $0x0  }
0xa5: {  	s25 =	simm.s32 $0x1B8E;
	[sflag:s24] =	ssyncadd.s32 $0xFFFFFFFF  }
0xa6: {  	s26 =	simm.s32 $execute0_lowered;
	[smem:$0x3FD2] =	sst s25  }
0xa7: {  	s5 =	sshll.u32 s26, $0x1;
	_ =	strace $0x80000046;
	[dreg:$0x1] =	wrdreg $0xFFFFFFFF  }
0xa8: {  	s28 =	simm.s32 $_size_execute0_lowered;
	s4 =	sadd.s32 s4, s5;
	[dreg:$0x0] =	wrdreg $0x0  }
0xa9: {  	s5 =	sshll.u32 s28, $0x1;
	[dreg:$0x2] =	wrdreg s4  }
0xaa: {  	[dreg:$0x3] =	wrdreg s5  }
0xab: {  	[dreg:$0x4] =	wrdreg $0xC0  }
0xac: {  	_ =	task [dreg:s8], $0x5FFFF  }
0xad: {  	[dreg:$0x1] =	wrdreg $0xFFFFFFFF  }
0xae: {  	[dreg:$0x0] =	wrdreg $0x60  }
0xaf: {  	[dreg:$0x2] =	wrdreg s2  }
0xb0: {  	[dreg:$0x3] =	wrdreg s19  }
0xb1: {  	[dreg:$0x4] =	wrdreg $0x9  }
0xb2: {  	_ =	task.clear_ibuf [dreg:s8], $0x5FFFF;
	_ =	strace $0x90000046  }
0xb3: {  	s29 =	simm.s32 $0x9;
	_ =	strace $0x80000048  }
0xb4: {  	_ =	swait.ge [sflag:s29], $0x1  }
0xb5: {  	[sflag:s29] =	ssyncadd.s32 $0xFFFFFFFF  }
0xb6: {  	_ =	strace $0x90000048  }
0xb7: {  	_ =	sfence  }
0xb8: {  	s30 =	sld [smem:$0x0];
	_ =	sdelay $0x2  }
0xb9: {  	s31 =	sshll.u32 s1, $0xD;
	s1 =	sshrl.u32 s1, $0x2  }
0xba: {  	s3 =	sand.u32 $0x4000, s31;
	s1 =	sadd.s32 s1, s30  }
0xbb: {  	s0 =	sor.u32 s3, s0;
	s1 =	sshll.u32 s1, $0x11  }
0xbc: {  	s0 =	sor.u32 s1, s0  }
0xbd: {  	s0 =	sadd.s32 $0x8F2B, s0  }
0xbe: {  	[sflag:s0] =	ssyncadd.remote.s32 $0x1  }
0xbf: {  	_ =	sfence.sel $0xFFFF  }
0xc0: {  	[dreg:$0x0] =	wrdreg $0xFFFFFFFF;
	(pc) =	sbr.abs _section_cstart, $3  }
0xc1: {  	[dreg:$0x1] =	wrdreg $0xFFFFFFFF  }
0xc2: {  	_ =	task.clear_ibuf [dreg:s8], $0x2FFFF;
	_ =	strace $0x9FFFFFFF  }
0xc3: {  	(tm) =	ssettm $0x7FFFFFFF  }
tec
execute0_lowered:
.L_overlay_start_1:
0x0: {  	(tag) =	ssettag $0x1  }
0x1: {  	s15 =	rddreg [dreg:$0x0]  }
0x2: {  	s17 =	rddreg [dreg:$0x1]  }
0x3: {  	s2 =	srdreg.scid;
	s0 =	rddreg [dreg:$0x2]  }
0x4: {  	s1 =	stileid.u32;
	s5 =	simm.s32 $0x400;
	s18 =	sand.u32 $0x1, s2  }
0x5: {  	s2 =	simm.s32 $0x0;
	s3 =	sshll.u32 s1, $0xF;
	s4 =	sshll.u32 s18, $0x6  }
0x6: {  	s6 =	simm.s32 $0x1;
	[smem:$0x7FF] =	sst s2;
	s16 =	sor.u32 s4, s3  }
0x7: {  	_ =	strace $0x80000047;
	s4 =	simm.s32 $0x80;
	s3 =	sadd.s32 s15, s16  }
0x8: {  	[tilespmem:s2], [sflag:$0x1] =	stream.strided.gather [hbm4b:s3+s4], $0x8000, s5, s4, $0x38;
	[tilespmem:$0x10000] =	vst v63  }
0x9: {  	_ =	swait.ge [sflag:s6], $0x8000  }
0xa: {  	s13 =	sor.u32 $0x10, s16;
	[sflag:s6] =	ssyncset.done $0x0  }
0xb: {  	s8 =	simm.s32 $0x8000;
	s7 =	sadd.s32 s15, s13;
	[sflag:s6] =	ssyncadd.s32 $0xFFFF8000  }
0xc: {  	[tilespmem:s8], [sflag:$0x2] =	stream.strided.gather [hbm4b:s7+s4], $0x8000, s5, s4, $0x38;
	[tilespmem:$0x10000] =	vst v63  }
0xd: {  	s10 =	simm.s32 $0x2;
	s9 =	sadd.s32 s17, s16  }
0xe: {  	[hbm4b:s9+s4] =	stream.strided.scatter [tilespmem:s2], [sflag:$0x3], $0x8000, s5, s4, $0x38;
	[tilespmem:$0x10000] =	vst v63  }
0xf: {  	_ =	swait.ge [sflag:s10], $0x8000  }
0x10: {  	[sflag:s10] =	ssyncset.done $0x0  }
0x11: {  	s11 =	simm.s32 $0x3;
	[sflag:s10] =	ssyncadd.s32 $0xFFFF8000  }
0x12: {  	_ =	swait.ge [sflag:s11], $0x8000  }
0x13: {  	s19 =	sor.u32 $0x20, s16;
	[sflag:s11] =	ssyncset.done $0x0  }
0x14: {  	s12 =	sadd.s32 s15, s19;
	[sflag:s11] =	ssyncadd.s32 $0xFFFF8000  }
0x15: {  	[tilespmem:s2], [sflag:$0x1] =	stream.strided.gather [hbm4b:s12+s4], $0x8000, s5, s4, $0x38;
	[tilespmem:$0x10000] =	vst v63  }
0x16: {  	s13 =	sadd.s32 s17, s13  }
0x17: {  	[hbm4b:s13+s4] =	stream.strided.scatter [tilespmem:s8], [sflag:$0x4], $0x8000, s5, s4, $0x38;
	[tilespmem:$0x10000] =	vst v63  }
0x18: {  	_ =	swait.ge [sflag:s6], $0x8000  }
0x19: {  	[sflag:s6] =	ssyncset.done $0x0  }
0x1a: {  	s14 =	simm.s32 $0x4;
	[sflag:s6] =	ssyncadd.s32 $0xFFFF8000  }
0x1b: {  	_ =	swait.ge [sflag:s14], $0x8000  }
0x1c: {  	s20 =	sor.u32 $0x30, s16;
	[sflag:s14] =	ssyncset.done $0x0  }
0x1d: {  	s18 =	ssub.s32 $0x2, s18;
	s15 =	sadd.s32 s15, s20;
	[sflag:s14] =	ssyncadd.s32 $0xFFFF8000  }
0x1e: {  	[tilespmem:s8], [sflag:$0x2] =	stream.strided.gather [hbm4b:s15+s4], $0x8000, s5, s4, $0x38;
	[tilespmem:$0x10000] =	vst v63  }
0x1f: {  	s31 =	sshrl.u32 s18, $0x1;
	s16 =	sadd.s32 s17, s19  }
0x20: {  	[hbm4b:s16+s4] =	stream.strided.scatter [tilespmem:s2], [sflag:$0x3], $0x8000, s5, s4, $0x38;
	[tilespmem:$0x10000] =	vst v63  }
0x21: {  	s18 =	ssub.s32 s18, s31;
	_ =	swait.ge [sflag:s10], $0x8000  }
0x22: {  	s18 =	smax.u32 s18, $0x1;
	[sflag:s10] =	ssyncset.done $0x0  }
0x23: {  	s17 =	sadd.s32 s17, s20;
	p0 =	sne.s32 s18, $0x1;
	[sflag:s10] =	ssyncadd.s32 $0xFFFF8000  }
0x24: {  	[hbm4b:s17+s4] =	stream.strided.scatter [tilespmem:s8], [sflag:$0x4], $0x8000, s5, s4, $0x38;
	[tilespmem:$0x10000] =	vst v63  }
.Ltmp0:
0x25: {  	_ =	swait.ge [sflag:s11], $0x8000;
	(pc) =	sbr.rel @!p0 .LBB2_2-.Ltmp0, $4  }
0x26: {  	[sflag:s11] =	ssyncset.done $0x0  }
0x27: {  	[sflag:s11] =	ssyncadd.s32 $0xFFFF8000  }
0x28: {  	_ =	swait.ge [sflag:s14], $0x8000  }
0x29: {  	s18 =	sadd.s32 $0xFFFFFFFF, s18;
	[sflag:s14] =	ssyncset.done $0x0  }
.LBB2_1:
0x2a: {  	p0 =	sne.s32 s18, $0x1;
	s18 =	sadd.s32 $0xFFFFFFFF, s18;
	[sflag:s14] =	ssyncadd.s32 $0xFFFF8000  }
0x2b: {  	[tilespmem:s2], [sflag:$0x1] =	stream.strided.gather [hbm4b:s3+s4], $0x8000, s5, s4, $0x38;
	[tilespmem:$0x10000] =	vst v63  }
0x2c: {  	_ =	swait.ge [sflag:s6], $0x8000  }
0x2d: {  	[sflag:s6] =	ssyncset.done $0x0  }
0x2e: {  	[sflag:s6] =	ssyncadd.s32 $0xFFFF8000  }
0x2f: {  	[tilespmem:s8], [sflag:$0x2] =	stream.strided.gather [hbm4b:s7+s4], $0x8000, s5, s4, $0x38;
	[tilespmem:$0x10000] =	vst v63  }
0x30: {  	_ = 	snop  }
0x31: {  	[hbm4b:s9+s4] =	stream.strided.scatter [tilespmem:s2], [sflag:$0x3], $0x8000, s5, s4, $0x38;
	[tilespmem:$0x10000] =	vst v63  }
0x32: {  	_ =	swait.ge [sflag:s10], $0x8000  }
0x33: {  	[sflag:s10] =	ssyncset.done $0x0  }
0x34: {  	[sflag:s10] =	ssyncadd.s32 $0xFFFF8000  }
0x35: {  	_ =	swait.ge [sflag:s11], $0x8000  }
0x36: {  	[sflag:s11] =	ssyncset.done $0x0  }
0x37: {  	[sflag:s11] =	ssyncadd.s32 $0xFFFF8000  }
0x38: {  	[tilespmem:s2], [sflag:$0x1] =	stream.strided.gather [hbm4b:s12+s4], $0x8000, s5, s4, $0x38;
	[tilespmem:$0x10000] =	vst v63  }
0x39: {  	_ = 	snop  }
0x3a: {  	[hbm4b:s13+s4] =	stream.strided.scatter [tilespmem:s8], [sflag:$0x4], $0x8000, s5, s4, $0x38;
	[tilespmem:$0x10000] =	vst v63  }
0x3b: {  	_ =	swait.ge [sflag:s6], $0x8000  }
0x3c: {  	[sflag:s6] =	ssyncset.done $0x0  }
0x3d: {  	[sflag:s6] =	ssyncadd.s32 $0xFFFF8000  }
0x3e: {  	_ =	swait.ge [sflag:s14], $0x8000  }
0x3f: {  	[sflag:s14] =	ssyncset.done $0x0  }
0x40: {  	[sflag:s14] =	ssyncadd.s32 $0xFFFF8000  }
0x41: {  	[tilespmem:s8], [sflag:$0x2] =	stream.strided.gather [hbm4b:s15+s4], $0x8000, s5, s4, $0x38;
	[tilespmem:$0x10000] =	vst v63  }
0x42: {  	_ = 	snop  }
0x43: {  	[hbm4b:s16+s4] =	stream.strided.scatter [tilespmem:s2], [sflag:$0x3], $0x8000, s5, s4, $0x38;
	[tilespmem:$0x10000] =	vst v63  }
0x44: {  	_ =	swait.ge [sflag:s10], $0x8000  }
0x45: {  	[sflag:s10] =	ssyncset.done $0x0  }
0x46: {  	[sflag:s10] =	ssyncadd.s32 $0xFFFF8000  }
0x47: {  	[hbm4b:s17+s4] =	stream.strided.scatter [tilespmem:s8], [sflag:$0x4], $0x8000, s5, s4, $0x38;
	[tilespmem:$0x10000] =	vst v63  }
.Ltmp1:
0x48: {  	_ =	swait.ge [sflag:s11], $0x8000;
	(pc) =	sbr.rel @p0 .LBB2_1-.Ltmp1, $4  }
0x49: {  	[sflag:s11] =	ssyncset.done $0x0  }
0x4a: {  	[sflag:s11] =	ssyncadd.s32 $0xFFFF8000  }
0x4b: {  	_ =	swait.ge [sflag:s14], $0x8000  }
0x4c: {  	[sflag:s14] =	ssyncset.done $0x0  }
.LBB2_2:
0x4d: {  	[sflag:s14] =	ssyncadd.s32 $0xFFFF8000  }
0x4e: {  	_ =	sfence.sel $0x180000  }
0x4f: {  	[bflag:$0x0] =	sbarrier.arrive $0xFFFF  }
0x50: {  	p0 =	sne.s32 s1, $0x0;
	_ =	strace $0x90000047  }
0x51: {  	s0 =	sadd.s32 @!p0 $0x100000, s0;
	[bflag:$0x2] =	sbarrier.arrive $0xFFFF  }
0x52: {  	[sflag:s0] =	ssyncadd.tile.s32 @!p0 $0x1;
	_ =	shalt  }
.Lfunc_end2:
_tile_overlayer_lowered:
.L_overlay_start_2:
0x53: {  	(tag) =	ssettag $0x2  }
0x54: {  	s0 =	rddreg [dreg:$0x0];
	s2 =	stileid.u32  }
0x55: {  	s1 =	rddreg [dreg:$0x1];
	p0 =	sne.s32 s2, $0x0  }
0x56: {  	s3 =	rddreg [dreg:$0x2];
	[bflag:$0x3] =	sbarrier.arrive $0xFFFF;
	s2 =	simm.s32 @!p0 $0x1C05  }
0x57: {  	[timem:s3], [sflag:s2] =	dma.local @!p0 [hbm:s0], s1  }
0x58: {  	s0 =	simm.s32 @!p0 $0x5  }
0x59: {  	_ =	swait.ge @!p0 [sflag:s0], s1  }
0x5a: {  	s1 =	ssub.s32 @!p0 $0x0, s1;
	[sflag:s0] =	ssyncset.done @!p0 $0x0  }
0x5b: {  	[sflag:s0] =	ssyncadd.s32 @!p0 s1  }
0x5c: {  	[bflag:$0x3] =	sbarrier.arrive $0xFFFF  }
0x5d: {  	_ =	shalt  }

</sc_bundles>
